<compile_context>
chip_gen: v7x
topology: tpu7x:2x2x1
jax: 0.10.2.dev20260603
libtpu: 0.0.44.dev20260713+nightly
codegen_flags: <defaults>
</compile_context>

<pallas_src>
import functools

import jax
import jax.numpy as jnp
from jax import lax
from jax.experimental import pallas as pl
from jax.experimental.pallas import tpu as pltpu
from jax.experimental.pallas import tpu_sc as plsc

_TI = 512
_L = 16


def _combine_body(idx_hbm, w_hbm, c_hbm, idx_v, w_v, c_v, sem):
    on_worker0 = jnp.logical_and(lax.axis_index("c") == 0,
                                 lax.axis_index("s") == 0)

    @pl.when(on_worker0)
    def _():
        pltpu.sync_copy(idx_hbm, idx_v)
        pltpu.sync_copy(w_hbm, w_v)
        for j in range(256 // _L):
            c_v[pl.ds(j * _L, _L)] = jnp.zeros((_L,), jnp.float32)
        lanes = lax.iota(jnp.int32, _L)
        for j in range(64 // _L):
            ev = idx_v[pl.ds(j * _L, _L)]
            wv = w_v[pl.ds(j * _L, _L)]
            tok = j * (_L // 2) + lax.shift_right_logical(lanes, 1)
            flat = ev * 32 + tok
            for k in range(2):
                mask = lax.bitwise_and(lanes, 1) == k
                plsc.addupdate_scatter(c_v, [flat], wv, mask=mask)
        pltpu.sync_copy(c_v, c_hbm)


def _combine_coeffs(idx_flat, w_flat):
    mesh = plsc.VectorSubcoreMesh(core_axis_name="c", subcore_axis_name="s")
    f = pl.kernel(
        _combine_body,
        mesh=mesh,
        out_type=jax.ShapeDtypeStruct((256,), jnp.float32),
        scratch_types=[
            pltpu.VMEM((64,), jnp.int32),
            pltpu.VMEM((64,), jnp.float32),
            pltpu.VMEM((256,), jnp.float32),
            pltpu.SemaphoreType.DMA,
        ],
        compiler_params=pltpu.CompilerParams(needs_layout_passes=False),
    )
    return f(idx_flat, w_flat).reshape(8, 32)


def _moe_body(c_ref, x_ref, g_ref, u_ref, d_ref, out_ref, xt_scr, acc_scr):
    e = pl.program_id(0)
    i = pl.program_id(1)
    first = jnp.logical_and(e == 0, i == 0)
    last = jnp.logical_and(e == pl.num_programs(0) - 1,
                           i == pl.num_programs(1) - 1)

    @pl.when(first)
    def _init():
        xt_scr[...] = x_ref[...].T

    xt = xt_scr[...]
    g = jax.lax.dot_general(g_ref[0], xt, (((1,), (0,)), ((), ())),
                            preferred_element_type=jnp.float32)
    u = jax.lax.dot_general(u_ref[0], xt, (((1,), (0,)), ((), ())),
                            preferred_element_type=jnp.float32)
    h = (g * jax.nn.sigmoid(g)) * u

    rows = lax.broadcasted_iota(jnp.int32, c_ref.shape, 0)
    ce = jnp.sum(jnp.where(rows == e, c_ref[...], 0.0), axis=0)
    h = h * ce[None, :]

    contrib = jax.lax.dot_general(d_ref[0], h, (((1,), (0,)), ((), ())),
                                  preferred_element_type=jnp.float32)

    @pl.when(first)
    def _set():
        acc_scr[...] = contrib

    @pl.when(jnp.logical_not(first))
    def _add():
        acc_scr[...] += contrib

    @pl.when(last)
    def _emit():
        out_ref[...] = acc_scr[...].T


@functools.partial(jax.jit, static_argnames=())
def kernel(x, expert_indices, expert_weights, gate_proj, up_proj, down_proj):
    batch, seq_len, hidden = x.shape
    num_experts = gate_proj.shape[0]
    inter = gate_proj.shape[1]
    top_k = expert_indices.shape[-1]
    num_tokens = batch * seq_len

    x2 = x.reshape(num_tokens, hidden)
    idx_flat = expert_indices.reshape(num_tokens * top_k)
    w_flat = expert_weights.reshape(num_tokens * top_k)

    c = _combine_coeffs(idx_flat, w_flat)

    n_i = inter // _TI
    grid = (num_experts, n_i)

    out = pl.pallas_call(
        _moe_body,
        grid=grid,
        in_specs=[
            pl.BlockSpec((num_experts, num_tokens), lambda e, i: (0, 0)),
            pl.BlockSpec((num_tokens, hidden), lambda e, i: (0, 0)),
            pl.BlockSpec((1, _TI, hidden), lambda e, i: (e, i, 0)),
            pl.BlockSpec((1, _TI, hidden), lambda e, i: (e, i, 0)),
            pl.BlockSpec((1, hidden, _TI), lambda e, i: (e, 0, i)),
        ],
        out_specs=pl.BlockSpec((num_tokens, hidden), lambda e, i: (0, 0)),
        out_shape=jax.ShapeDtypeStruct((num_tokens, hidden), jnp.float32),
        scratch_shapes=[
            pltpu.VMEM((hidden, num_tokens), jnp.float32),
            pltpu.VMEM((hidden, num_tokens), jnp.float32),
        ],
    )(c, x2, gate_proj, up_proj, down_proj)

    return out.reshape(batch, seq_len, hidden)

# --- scband reference (transcript-rebuilt; emitter-appended) ---
"""Pipeline reference for scband-model-38113539785432 (READ-ONLY COPY).

The authoritative reference and input builder live on the scoring server;
editing this copy changes nothing except your own understanding.
"""

import jax, jax.numpy as jnp
import numpy as np

HIDDEN = 2048
INTER = 5632
NUM_EXPERTS = 8
BATCH = 8
Q_LEN = 4
TOP_K = 2


def setup_inputs(seed: int = 0) -> dict:
    key = jax.random.key(seed)
    k1, k2, k3, k4, k5, k6 = jax.random.split(key, 6)
    x = jax.random.normal(k1, (BATCH, Q_LEN, HIDDEN), dtype=jnp.float32)
    expert_indices = jax.random.randint(k2, (BATCH, Q_LEN, TOP_K), 0, NUM_EXPERTS).astype(jnp.int32)
    expert_weights = jax.random.uniform(k3, (BATCH, Q_LEN, TOP_K), dtype=jnp.float32)
    gate_proj = jax.random.normal(k4, (NUM_EXPERTS, INTER, HIDDEN), dtype=jnp.float32) * 0.02
    up_proj = jax.random.normal(k5, (NUM_EXPERTS, INTER, HIDDEN), dtype=jnp.float32) * 0.02
    down_proj = jax.random.normal(k6, (NUM_EXPERTS, HIDDEN, INTER), dtype=jnp.float32) * 0.02
    return {"x": x, "expert_indices": expert_indices, "expert_weights": expert_weights,
            "gate_proj": gate_proj, "up_proj": up_proj, "down_proj": down_proj}


def reference(x, expert_indices, expert_weights, gate_proj, up_proj, down_proj):
    batch, seq_len, hidden = x.shape
    num_experts = gate_proj.shape[0]
    top_k = expert_indices.shape[-1]
    num_tokens = batch * seq_len
    x_flat = x.reshape(num_tokens, hidden)
    indices_flat = expert_indices.reshape(num_tokens * top_k)
    weights_flat = expert_weights.reshape(num_tokens * top_k)
    token_ids = jnp.repeat(jnp.arange(num_tokens), top_k)
    sort_order = jnp.argsort(indices_flat)
    sorted_expert_idx = indices_flat[sort_order]
    sorted_token_ids = token_ids[sort_order]
    sorted_weights = weights_flat[sort_order]
    sorted_x = x_flat[sorted_token_ids]
    # Per-expert gated FFN. The torch code slices contiguous per-expert ranges;
    # here we compute all experts for all pairs and select with a one-hot mask,
    # which is mathematically identical and trace-compatible.
    gate = jax.nn.silu(jnp.einsum('pd,eid->pei', sorted_x, gate_proj))
    up = jnp.einsum('pd,eid->pei', sorted_x, up_proj)
    intermediate = gate * up
    out_all = jnp.einsum('pei,ehi->peh', intermediate, down_proj)
    onehot = jax.nn.one_hot(sorted_expert_idx, num_experts, dtype=x.dtype)
    sorted_output = jnp.einsum('peh,pe->ph', out_all, onehot)
    weighted_sorted = sorted_output * sorted_weights[:, None]
    output = jnp.zeros((num_tokens, hidden), dtype=x.dtype).at[sorted_token_ids].add(weighted_sorted)
    return output.reshape(batch, seq_len, hidden)

if __name__ == "__main__":
    import jax
    _d = setup_inputs()
    print(jax.jit(kernel)(*tuple(_d.values())))

</pallas_src>

<mosaic_0001>
#map = affine_map<(d0, d1) -> (0)>
module attributes {stable_mosaic.version = 14 : i64} {
  func.func @_combine_body(%arg0: i32, %arg1: i32, %arg2: memref<64xi32, #tpu.memory_space<hbm>>, %arg3: memref<64xf32, #tpu.memory_space<hbm>>, %arg4: memref<256xf32, #tpu.memory_space<hbm>>, %arg5: memref<64xi32, #tpu.memory_space<vmem>>, %arg6: memref<64xf32, #tpu.memory_space<vmem>>, %arg7: memref<256xf32, #tpu.memory_space<vmem>>, %arg8: memref<!tpu.dma_semaphore, #tpu.memory_space<semaphore_mem>>) attributes {dimension_semantics = [#tpu.dimension_semantics<core_parallel>, #tpu.dimension_semantics<subcore_parallel>], iteration_bounds = array<i64: 2, 16>, scalar_prefetch = 0 : i64, scratch_operands = 4 : i64, tpu.core_type = #tpu.core_type<sc_vector_subcore>, window_params = [{transform_indices = #map}, {transform_indices = #map}, {transform_indices = #map}]} {
    %eq3A = arith.constant 0 : i32
    %eq3A_0 = arith.cmpi eq, %arg0, %eq3A : i32
    %eq3A_1 = arith.constant 0 : i32
    %eq3A_2 = arith.cmpi eq, %arg1, %eq3A_1 : i32
    %and3A = arith.andi %eq3A_0, %eq3A_2 : i1
    %convert_element_type3A = arith.extui %and3A : i1 to i32
    %cond3A = arith.constant 0 : i32
    %cond3A_3 = arith.cmpi ne, %convert_element_type3A, %cond3A : i32
    scf.if %cond3A_3 {
      "tpu.region"() ({
        %run_scoped3A = tpu.sem_alloc : memref<!tpu.dma_semaphore, #tpu.memory_space<semaphore_mem>>
        tpu.enqueue_dma source(%arg2 : memref<64xi32, #tpu.memory_space<hbm>>) target(%arg5 : memref<64xi32, #tpu.memory_space<vmem>>) target_semaphore(%run_scoped3A : memref<!tpu.dma_semaphore, #tpu.memory_space<semaphore_mem>>)
        tpu.wait_dma2 semaphore(%run_scoped3A : memref<!tpu.dma_semaphore, #tpu.memory_space<semaphore_mem>>) src(%arg2 : memref<64xi32, #tpu.memory_space<hbm>>) dst(%arg5 : memref<64xi32, #tpu.memory_space<vmem>>)
        tpu.yield
      }) : () -> ()
      "tpu.region"() ({
        %run_scoped3A = tpu.sem_alloc : memref<!tpu.dma_semaphore, #tpu.memory_space<semaphore_mem>>
        tpu.enqueue_dma source(%arg3 : memref<64xf32, #tpu.memory_space<hbm>>) target(%arg6 : memref<64xf32, #tpu.memory_space<vmem>>) target_semaphore(%run_scoped3A : memref<!tpu.dma_semaphore, #tpu.memory_space<semaphore_mem>>)
        tpu.wait_dma2 semaphore(%run_scoped3A : memref<!tpu.dma_semaphore, #tpu.memory_space<semaphore_mem>>) src(%arg3 : memref<64xf32, #tpu.memory_space<hbm>>) dst(%arg6 : memref<64xf32, #tpu.memory_space<vmem>>)
        tpu.yield
      }) : () -> ()
      %broadcast_in_dim3A = arith.constant 0.000000e+00 : f32
      %broadcast_in_dim3A_4 = vector.broadcast %broadcast_in_dim3A : f32 to vector<16xf32>
      %swap3A = arith.constant 0 : index
      %swap3A_5 = tpu.vector_load %arg7[%swap3A] {strides = array<i32>} : memref<256xf32, #tpu.memory_space<vmem>>, vector<16xf32>,
      tpu.vector_store %arg7[%swap3A], %broadcast_in_dim3A_4 {strides = array<i32>} : memref<256xf32, #tpu.memory_space<vmem>>, vector<16xf32>,
      %broadcast_in_dim3A_6 = arith.constant 0.000000e+00 : f32
      %broadcast_in_dim3A_7 = vector.broadcast %broadcast_in_dim3A_6 : f32 to vector<16xf32>
      %swap3A_8 = arith.constant 16 : index
      %swap3A_9 = tpu.vector_load %arg7[%swap3A_8] {strides = array<i32>} : memref<256xf32, #tpu.memory_space<vmem>>, vector<16xf32>,
      tpu.vector_store %arg7[%swap3A_8], %broadcast_in_dim3A_7 {strides = array<i32>} : memref<256xf32, #tpu.memory_space<vmem>>, vector<16xf32>,
      %broadcast_in_dim3A_10 = arith.constant 0.000000e+00 : f32
      %broadcast_in_dim3A_11 = vector.broadcast %broadcast_in_dim3A_10 : f32 to vector<16xf32>
      %swap3A_12 = arith.constant 32 : index
      %swap3A_13 = tpu.vector_load %arg7[%swap3A_12] {strides = array<i32>} : memref<256xf32, #tpu.memory_space<vmem>>, vector<16xf32>,
      tpu.vector_store %arg7[%swap3A_12], %broadcast_in_dim3A_11 {strides = array<i32>} : memref<256xf32, #tpu.memory_space<vmem>>, vector<16xf32>,
      %broadcast_in_dim3A_14 = arith.constant 0.000000e+00 : f32
      %broadcast_in_dim3A_15 = vector.broadcast %broadcast_in_dim3A_14 : f32 to vector<16xf32>
      %swap3A_16 = arith.constant 48 : index
      %swap3A_17 = tpu.vector_load %arg7[%swap3A_16] {strides = array<i32>} : memref<256xf32, #tpu.memory_space<vmem>>, vector<16xf32>,
      tpu.vector_store %arg7[%swap3A_16], %broadcast_in_dim3A_15 {strides = array<i32>} : memref<256xf32, #tpu.memory_space<vmem>>, vector<16xf32>,
      %broadcast_in_dim3A_18 = arith.constant 0.000000e+00 : f32
      %broadcast_in_dim3A_19 = vector.broadcast %broadcast_in_dim3A_18 : f32 to vector<16xf32>
      %swap3A_20 = arith.constant 64 : index
      %swap3A_21 = tpu.vector_load %arg7[%swap3A_20] {strides = array<i32>} : memref<256xf32, #tpu.memory_space<vmem>>, vector<16xf32>,
      tpu.vector_store %arg7[%swap3A_20], %broadcast_in_dim3A_19 {strides = array<i32>} : memref<256xf32, #tpu.memory_space<vmem>>, vector<16xf32>,
      %broadcast_in_dim3A_22 = arith.constant 0.000000e+00 : f32
      %broadcast_in_dim3A_23 = vector.broadcast %broadcast_in_dim3A_22 : f32 to vector<16xf32>
      %swap3A_24 = arith.constant 80 : index
      %swap3A_25 = tpu.vector_load %arg7[%swap3A_24] {strides = array<i32>} : memref<256xf32, #tpu.memory_space<vmem>>, vector<16xf32>,
      tpu.vector_store %arg7[%swap3A_24], %broadcast_in_dim3A_23 {strides = array<i32>} : memref<256xf32, #tpu.memory_space<vmem>>, vector<16xf32>,
      %broadcast_in_dim3A_26 = arith.constant 0.000000e+00 : f32
      %broadcast_in_dim3A_27 = vector.broadcast %broadcast_in_dim3A_26 : f32 to vector<16xf32>
      %swap3A_28 = arith.constant 96 : index
      %swap3A_29 = tpu.vector_load %arg7[%swap3A_28] {strides = array<i32>} : memref<256xf32, #tpu.memory_space<vmem>>, vector<16xf32>,
      tpu.vector_store %arg7[%swap3A_28], %broadcast_in_dim3A_27 {strides = array<i32>} : memref<256xf32, #tpu.memory_space<vmem>>, vector<16xf32>,
      %broadcast_in_dim3A_30 = arith.constant 0.000000e+00 : f32
      %broadcast_in_dim3A_31 = vector.broadcast %broadcast_in_dim3A_30 : f32 to vector<16xf32>
      %swap3A_32 = arith.constant 112 : index
      %swap3A_33 = tpu.vector_load %arg7[%swap3A_32] {strides = array<i32>} : memref<256xf32, #tpu.memory_space<vmem>>, vector<16xf32>,
      tpu.vector_store %arg7[%swap3A_32], %broadcast_in_dim3A_31 {strides = array<i32>} : memref<256xf32, #tpu.memory_space<vmem>>, vector<16xf32>,
      %broadcast_in_dim3A_34 = arith.constant 0.000000e+00 : f32
      %broadcast_in_dim3A_35 = vector.broadcast %broadcast_in_dim3A_34 : f32 to vector<16xf32>
      %swap3A_36 = arith.constant 128 : index
      %swap3A_37 = tpu.vector_load %arg7[%swap3A_36] {strides = array<i32>} : memref<256xf32, #tpu.memory_space<vmem>>, vector<16xf32>,
      tpu.vector_store %arg7[%swap3A_36], %broadcast_in_dim3A_35 {strides = array<i32>} : memref<256xf32, #tpu.memory_space<vmem>>, vector<16xf32>,
      %broadcast_in_dim3A_38 = arith.constant 0.000000e+00 : f32
      %broadcast_in_dim3A_39 = vector.broadcast %broadcast_in_dim3A_38 : f32 to vector<16xf32>
      %swap3A_40 = arith.constant 144 : index
      %swap3A_41 = tpu.vector_load %arg7[%swap3A_40] {strides = array<i32>} : memref<256xf32, #tpu.memory_space<vmem>>, vector<16xf32>,
      tpu.vector_store %arg7[%swap3A_40], %broadcast_in_dim3A_39 {strides = array<i32>} : memref<256xf32, #tpu.memory_space<vmem>>, vector<16xf32>,
      %broadcast_in_dim3A_42 = arith.constant 0.000000e+00 : f32
      %broadcast_in_dim3A_43 = vector.broadcast %broadcast_in_dim3A_42 : f32 to vector<16xf32>
      %swap3A_44 = arith.constant 160 : index
      %swap3A_45 = tpu.vector_load %arg7[%swap3A_44] {strides = array<i32>} : memref<256xf32, #tpu.memory_space<vmem>>, vector<16xf32>,
      tpu.vector_store %arg7[%swap3A_44], %broadcast_in_dim3A_43 {strides = array<i32>} : memref<256xf32, #tpu.memory_space<vmem>>, vector<16xf32>,
      %broadcast_in_dim3A_46 = arith.constant 0.000000e+00 : f32
      %broadcast_in_dim3A_47 = vector.broadcast %broadcast_in_dim3A_46 : f32 to vector<16xf32>
      %swap3A_48 = arith.constant 176 : index
      %swap3A_49 = tpu.vector_load %arg7[%swap3A_48] {strides = array<i32>} : memref<256xf32, #tpu.memory_space<vmem>>, vector<16xf32>,
      tpu.vector_store %arg7[%swap3A_48], %broadcast_in_dim3A_47 {strides = array<i32>} : memref<256xf32, #tpu.memory_space<vmem>>, vector<16xf32>,
      %broadcast_in_dim3A_50 = arith.constant 0.000000e+00 : f32
      %broadcast_in_dim3A_51 = vector.broadcast %broadcast_in_dim3A_50 : f32 to vector<16xf32>
      %swap3A_52 = arith.constant 192 : index
      %swap3A_53 = tpu.vector_load %arg7[%swap3A_52] {strides = array<i32>} : memref<256xf32, #tpu.memory_space<vmem>>, vector<16xf32>,
      tpu.vector_store %arg7[%swap3A_52], %broadcast_in_dim3A_51 {strides = array<i32>} : memref<256xf32, #tpu.memory_space<vmem>>, vector<16xf32>,
      %broadcast_in_dim3A_54 = arith.constant 0.000000e+00 : f32
      %broadcast_in_dim3A_55 = vector.broadcast %broadcast_in_dim3A_54 : f32 to vector<16xf32>
      %swap3A_56 = arith.constant 208 : index
      %swap3A_57 = tpu.vector_load %arg7[%swap3A_56] {strides = array<i32>} : memref<256xf32, #tpu.memory_space<vmem>>, vector<16xf32>,
      tpu.vector_store %arg7[%swap3A_56], %broadcast_in_dim3A_55 {strides = array<i32>} : memref<256xf32, #tpu.memory_space<vmem>>, vector<16xf32>,
      %broadcast_in_dim3A_58 = arith.constant 0.000000e+00 : f32
      %broadcast_in_dim3A_59 = vector.broadcast %broadcast_in_dim3A_58 : f32 to vector<16xf32>
      %swap3A_60 = arith.constant 224 : index
      %swap3A_61 = tpu.vector_load %arg7[%swap3A_60] {strides = array<i32>} : memref<256xf32, #tpu.memory_space<vmem>>, vector<16xf32>,
      tpu.vector_store %arg7[%swap3A_60], %broadcast_in_dim3A_59 {strides = array<i32>} : memref<256xf32, #tpu.memory_space<vmem>>, vector<16xf32>,
      %broadcast_in_dim3A_62 = arith.constant 0.000000e+00 : f32
      %broadcast_in_dim3A_63 = vector.broadcast %broadcast_in_dim3A_62 : f32 to vector<16xf32>
      %swap3A_64 = arith.constant 240 : index
      %swap3A_65 = tpu.vector_load %arg7[%swap3A_64] {strides = array<i32>} : memref<256xf32, #tpu.memory_space<vmem>>, vector<16xf32>,
      tpu.vector_store %arg7[%swap3A_64], %broadcast_in_dim3A_63 {strides = array<i32>} : memref<256xf32, #tpu.memory_space<vmem>>, vector<16xf32>,
      %iota3A = tpu.iota {dimensions = array<i32: 0>} : vector<16xi32>
      %get3A = arith.constant 0 : index
      %get3A_66 = tpu.vector_load %arg5[%get3A] {strides = array<i32>} : memref<64xi32, #tpu.memory_space<vmem>>, vector<16xi32>,
      %get3A_67 = arith.constant 0 : index
      %get3A_68 = tpu.vector_load %arg6[%get3A_67] {strides = array<i32>} : memref<64xf32, #tpu.memory_space<vmem>>, vector<16xf32>,
      %shift_right_logical3A = arith.constant 1 : i32
      %shift_right_logical3A_69 = vector.broadcast %shift_right_logical3A : i32 to vector<16xi32>
      %shift_right_logical3A_70 = arith.shrui %iota3A, %shift_right_logical3A_69 : vector<16xi32>
      %add3A = arith.constant 0 : i32
      %add3A_71 = vector.broadcast %add3A : i32 to vector<16xi32>
      %add3A_72 = arith.addi %add3A_71, %shift_right_logical3A_70 : vector<16xi32>
      %mul3A = arith.constant 32 : i32
      %mul3A_73 = vector.broadcast %mul3A : i32 to vector<16xi32>
      %mul3A_74 = arith.muli %get3A_66, %mul3A_73 : vector<16xi32>
      %add3A_75 = arith.addi %mul3A_74, %add3A_72 : vector<16xi32>
      %and3A_76 = arith.constant 1 : i32
      %and3A_77 = vector.broadcast %and3A_76 : i32 to vector<16xi32>
      %and3A_78 = arith.andi %iota3A, %and3A_77 : vector<16xi32>
      %eq3A_79 = arith.constant 0 : i32
      %eq3A_80 = vector.broadcast %eq3A_79 : i32 to vector<16xi32>
      %eq3A_81 = arith.cmpi eq, %and3A_78, %eq3A_80 : vector<16xi32>
      tpu.vector_store_idx %arg7[%add3A_75], %get3A_68 masked %eq3A_81 {add = true} : memref<256xf32, #tpu.memory_space<vmem>>[vector<16xi32>], vector<16xf32>, vector<16xi1>
      %and3A_82 = arith.constant 1 : i32
      %and3A_83 = vector.broadcast %and3A_82 : i32 to vector<16xi32>
      %and3A_84 = arith.andi %iota3A, %and3A_83 : vector<16xi32>
      %eq3A_85 = arith.constant 1 : i32
      %eq3A_86 = vector.broadcast %eq3A_85 : i32 to vector<16xi32>
      %eq3A_87 = arith.cmpi eq, %and3A_84, %eq3A_86 : vector<16xi32>
      tpu.vector_store_idx %arg7[%add3A_75], %get3A_68 masked %eq3A_87 {add = true} : memref<256xf32, #tpu.memory_space<vmem>>[vector<16xi32>], vector<16xf32>, vector<16xi1>
      %get3A_88 = arith.constant 16 : index
      %get3A_89 = tpu.vector_load %arg5[%get3A_88] {strides = array<i32>} : memref<64xi32, #tpu.memory_space<vmem>>, vector<16xi32>,
      %get3A_90 = arith.constant 16 : index
      %get3A_91 = tpu.vector_load %arg6[%get3A_90] {strides = array<i32>} : memref<64xf32, #tpu.memory_space<vmem>>, vector<16xf32>,
      %shift_right_logical3A_92 = arith.constant 1 : i32
      %shift_right_logical3A_93 = vector.broadcast %shift_right_logical3A_92 : i32 to vector<16xi32>
      %shift_right_logical3A_94 = arith.shrui %iota3A, %shift_right_logical3A_93 : vector<16xi32>
      %add3A_95 = arith.constant 8 : i32
      %add3A_96 = vector.broadcast %add3A_95 : i32 to vector<16xi32>
      %add3A_97 = arith.addi %add3A_96, %shift_right_logical3A_94 : vector<16xi32>
      %mul3A_98 = arith.constant 32 : i32
      %mul3A_99 = vector.broadcast %mul3A_98 : i32 to vector<16xi32>
      %mul3A_100 = arith.muli %get3A_89, %mul3A_99 : vector<16xi32>
      %add3A_101 = arith.addi %mul3A_100, %add3A_97 : vector<16xi32>
      %and3A_102 = arith.constant 1 : i32
      %and3A_103 = vector.broadcast %and3A_102 : i32 to vector<16xi32>
      %and3A_104 = arith.andi %iota3A, %and3A_103 : vector<16xi32>
      %eq3A_105 = arith.constant 0 : i32
      %eq3A_106 = vector.broadcast %eq3A_105 : i32 to vector<16xi32>
      %eq3A_107 = arith.cmpi eq, %and3A_104, %eq3A_106 : vector<16xi32>
      tpu.vector_store_idx %arg7[%add3A_101], %get3A_91 masked %eq3A_107 {add = true} : memref<256xf32, #tpu.memory_space<vmem>>[vector<16xi32>], vector<16xf32>, vector<16xi1>
      %and3A_108 = arith.constant 1 : i32
      %and3A_109 = vector.broadcast %and3A_108 : i32 to vector<16xi32>
      %and3A_110 = arith.andi %iota3A, %and3A_109 : vector<16xi32>
      %eq3A_111 = arith.constant 1 : i32
      %eq3A_112 = vector.broadcast %eq3A_111 : i32 to vector<16xi32>
      %eq3A_113 = arith.cmpi eq, %and3A_110, %eq3A_112 : vector<16xi32>
      tpu.vector_store_idx %arg7[%add3A_101], %get3A_91 masked %eq3A_113 {add = true} : memref<256xf32, #tpu.memory_space<vmem>>[vector<16xi32>], vector<16xf32>, vector<16xi1>
      %get3A_114 = arith.constant 32 : index
      %get3A_115 = tpu.vector_load %arg5[%get3A_114] {strides = array<i32>} : memref<64xi32, #tpu.memory_space<vmem>>, vector<16xi32>,
      %get3A_116 = arith.constant 32 : index
      %get3A_117 = tpu.vector_load %arg6[%get3A_116] {strides = array<i32>} : memref<64xf32, #tpu.memory_space<vmem>>, vector<16xf32>,
      %shift_right_logical3A_118 = arith.constant 1 : i32
      %shift_right_logical3A_119 = vector.broadcast %shift_right_logical3A_118 : i32 to vector<16xi32>
      %shift_right_logical3A_120 = arith.shrui %iota3A, %shift_right_logical3A_119 : vector<16xi32>
      %add3A_121 = arith.constant 16 : i32
      %add3A_122 = vector.broadcast %add3A_121 : i32 to vector<16xi32>
      %add3A_123 = arith.addi %add3A_122, %shift_right_logical3A_120 : vector<16xi32>
      %mul3A_124 = arith.constant 32 : i32
      %mul3A_125 = vector.broadcast %mul3A_124 : i32 to vector<16xi32>
      %mul3A_126 = arith.muli %get3A_115, %mul3A_125 : vector<16xi32>
      %add3A_127 = arith.addi %mul3A_126, %add3A_123 : vector<16xi32>
      %and3A_128 = arith.constant 1 : i32
      %and3A_129 = vector.broadcast %and3A_128 : i32 to vector<16xi32>
      %and3A_130 = arith.andi %iota3A, %and3A_129 : vector<16xi32>
      %eq3A_131 = arith.constant 0 : i32
      %eq3A_132 = vector.broadcast %eq3A_131 : i32 to vector<16xi32>
      %eq3A_133 = arith.cmpi eq, %and3A_130, %eq3A_132 : vector<16xi32>
      tpu.vector_store_idx %arg7[%add3A_127], %get3A_117 masked %eq3A_133 {add = true} : memref<256xf32, #tpu.memory_space<vmem>>[vector<16xi32>], vector<16xf32>, vector<16xi1>
      %and3A_134 = arith.constant 1 : i32
      %and3A_135 = vector.broadcast %and3A_134 : i32 to vector<16xi32>
      %and3A_136 = arith.andi %iota3A, %and3A_135 : vector<16xi32>
      %eq3A_137 = arith.constant 1 : i32
      %eq3A_138 = vector.broadcast %eq3A_137 : i32 to vector<16xi32>
      %eq3A_139 = arith.cmpi eq, %and3A_136, %eq3A_138 : vector<16xi32>
      tpu.vector_store_idx %arg7[%add3A_127], %get3A_117 masked %eq3A_139 {add = true} : memref<256xf32, #tpu.memory_space<vmem>>[vector<16xi32>], vector<16xf32>, vector<16xi1>
      %get3A_140 = arith.constant 48 : index
      %get3A_141 = tpu.vector_load %arg5[%get3A_140] {strides = array<i32>} : memref<64xi32, #tpu.memory_space<vmem>>, vector<16xi32>,
      %get3A_142 = arith.constant 48 : index
      %get3A_143 = tpu.vector_load %arg6[%get3A_142] {strides = array<i32>} : memref<64xf32, #tpu.memory_space<vmem>>, vector<16xf32>,
      %shift_right_logical3A_144 = arith.constant 1 : i32
      %shift_right_logical3A_145 = vector.broadcast %shift_right_logical3A_144 : i32 to vector<16xi32>
      %shift_right_logical3A_146 = arith.shrui %iota3A, %shift_right_logical3A_145 : vector<16xi32>
      %add3A_147 = arith.constant 24 : i32
      %add3A_148 = vector.broadcast %add3A_147 : i32 to vector<16xi32>
      %add3A_149 = arith.addi %add3A_148, %shift_right_logical3A_146 : vector<16xi32>
      %mul3A_150 = arith.constant 32 : i32
      %mul3A_151 = vector.broadcast %mul3A_150 : i32 to vector<16xi32>
      %mul3A_152 = arith.muli %get3A_141, %mul3A_151 : vector<16xi32>
      %add3A_153 = arith.addi %mul3A_152, %add3A_149 : vector<16xi32>
      %and3A_154 = arith.constant 1 : i32
      %and3A_155 = vector.broadcast %and3A_154 : i32 to vector<16xi32>
      %and3A_156 = arith.andi %iota3A, %and3A_155 : vector<16xi32>
      %eq3A_157 = arith.constant 0 : i32
      %eq3A_158 = vector.broadcast %eq3A_157 : i32 to vector<16xi32>
      %eq3A_159 = arith.cmpi eq, %and3A_156, %eq3A_158 : vector<16xi32>
      tpu.vector_store_idx %arg7[%add3A_153], %get3A_143 masked %eq3A_159 {add = true} : memref<256xf32, #tpu.memory_space<vmem>>[vector<16xi32>], vector<16xf32>, vector<16xi1>
      %and3A_160 = arith.constant 1 : i32
      %and3A_161 = vector.broadcast %and3A_160 : i32 to vector<16xi32>
      %and3A_162 = arith.andi %iota3A, %and3A_161 : vector<16xi32>
      %eq3A_163 = arith.constant 1 : i32
      %eq3A_164 = vector.broadcast %eq3A_163 : i32 to vector<16xi32>
      %eq3A_165 = arith.cmpi eq, %and3A_162, %eq3A_164 : vector<16xi32>
      tpu.vector_store_idx %arg7[%add3A_153], %get3A_143 masked %eq3A_165 {add = true} : memref<256xf32, #tpu.memory_space<vmem>>[vector<16xi32>], vector<16xf32>, vector<16xi1>
      "tpu.region"() ({
        %run_scoped3A = tpu.sem_alloc : memref<!tpu.dma_semaphore, #tpu.memory_space<semaphore_mem>>
        tpu.enqueue_dma source(%arg7 : memref<256xf32, #tpu.memory_space<vmem>>) target(%arg4 : memref<256xf32, #tpu.memory_space<hbm>>) target_semaphore(%run_scoped3A : memref<!tpu.dma_semaphore, #tpu.memory_space<semaphore_mem>>)
        tpu.wait_dma2 semaphore(%run_scoped3A : memref<!tpu.dma_semaphore, #tpu.memory_space<semaphore_mem>>) src(%arg7 : memref<256xf32, #tpu.memory_space<vmem>>) dst(%arg4 : memref<256xf32, #tpu.memory_space<hbm>>)
        tpu.yield
      }) : () -> ()
    } else {
    }
    return
  }
}

module attributes {stable_mosaic.version = 14 : i64} {
  func.func @_moe_body(%arg0: i32, %arg1: i32, %arg2: memref<8x32xf32, #tpu.memory_space<vmem>>, %arg3: memref<32x2048xf32, #tpu.memory_space<vmem>>, %arg4: memref<1x512x2048xf32, #tpu.memory_space<vmem>>, %arg5: memref<1x512x2048xf32, #tpu.memory_space<vmem>>, %arg6: memref<1x2048x512xf32, #tpu.memory_space<vmem>>, %arg7: memref<32x2048xf32, #tpu.memory_space<vmem>>, %arg8: memref<2048x32xf32, #tpu.memory_space<vmem>>, %arg9: memref<2048x32xf32, #tpu.memory_space<vmem>>) attributes {dimension_semantics = [#tpu.dimension_semantics<arbitrary>, #tpu.dimension_semantics<arbitrary>], iteration_bounds = array<i64: 8, 11>, scalar_prefetch = 0 : i64, scratch_operands = 2 : i64, tpu.core_type = #tpu.core_type<tc>, window_params = [{pipeline_mode = #tpu.pipeline_mode<synchronous>, transform_indices = @transform_0, window_bounds = array<i64: 8, 32>}, {pipeline_mode = #tpu.pipeline_mode<synchronous>, transform_indices = @transform_1, window_bounds = array<i64: 32, 2048>}, {transform_indices = @transform_2, window_bounds = array<i64: 1, 512, 2048>}, {transform_indices = @transform_3, window_bounds = array<i64: 1, 512, 2048>}, {transform_indices = @transform_4, window_bounds = array<i64: 1, 2048, 512>}, {pipeline_mode = #tpu.pipeline_mode<synchronous>, transform_indices = @transform_5, window_bounds = array<i64: 32, 2048>}]} {
    %eq3A = arith.constant 0 : i32
    %eq3A_0 = arith.cmpi eq, %arg0, %eq3A : i32
    %eq3A_1 = arith.constant 0 : i32
    %eq3A_2 = arith.cmpi eq, %arg1, %eq3A_1 : i32
    %and3A = arith.andi %eq3A_0, %eq3A_2 : i1
    %eq3A_3 = arith.constant 7 : i32
    %eq3A_4 = arith.cmpi eq, %arg0, %eq3A_3 : i32
    %eq3A_5 = arith.constant 10 : i32
    %eq3A_6 = arith.cmpi eq, %arg1, %eq3A_5 : i32
    %and3A_7 = arith.andi %eq3A_4, %eq3A_6 : i1
    %convert_element_type3A = arith.extui %and3A : i1 to i32
    %cond3A = arith.constant 0 : i32
    %cond3A_8 = arith.cmpi ne, %convert_element_type3A, %cond3A : i32
    scf.if %cond3A_8 {
      %get3A_56 = arith.constant 0 : index
      %get3A_57 = arith.constant 0 : index
      %get3A_58 = vector.load %arg3[%get3A_56, %get3A_57] : memref<32x2048xf32, #tpu.memory_space<vmem>>, vector<32x2048xf32>
      %transpose3A = tpu.transpose %get3A_58, [1, 0] : vector<32x2048xf32> -> vector<2048x32xf32>
      %swap3A = arith.constant 0 : index
      %swap3A_59 = arith.constant 0 : index
      %swap3A_60 = vector.load %arg8[%swap3A, %swap3A_59] : memref<2048x32xf32, #tpu.memory_space<vmem>>, vector<2048x32xf32>
      tpu.vector_store %arg8[%swap3A, %swap3A_59], %transpose3A {strides = array<i32>} : memref<2048x32xf32, #tpu.memory_space<vmem>>, vector<2048x32xf32>,
    } else {
    }
    %get3A = arith.constant 0 : index
    %get3A_9 = arith.constant 0 : index
    %get3A_10 = vector.load %arg8[%get3A, %get3A_9] : memref<2048x32xf32, #tpu.memory_space<vmem>>, vector<2048x32xf32>
    %get3A_11 = arith.constant 0 : index
    %get3A_12 = arith.constant 0 : index
    %get3A_13 = arith.constant 0 : index
    %get3A_14 = vector.load %arg4[%get3A_11, %get3A_12, %get3A_13] : memref<1x512x2048xf32, #tpu.memory_space<vmem>>, vector<1x512x2048xf32>
    %get3A_15 = vector.shape_cast %get3A_14 : vector<1x512x2048xf32> to vector<512x2048xf32>
    %dot_general3A = arith.constant dense<0.000000e+00> : vector<512x32xf32>
    %dot_general3A_16 = tpu.matmul %get3A_15, %get3A_10, %dot_general3A {dimension_numbers = #tpu.dot_dimension_numbers<[1], [0], [0], [1], [0, 0, 1, 1], [], []>, transpose_lhs_hint = false} : vector<512x2048xf32>, vector<2048x32xf32>, vector<512x32xf32> -> vector<512x32xf32>
    %get3A_17 = arith.constant 0 : index
    %get3A_18 = arith.constant 0 : index
    %get3A_19 = arith.constant 0 : index
    %get3A_20 = vector.load %arg5[%get3A_17, %get3A_18, %get3A_19] : memref<1x512x2048xf32, #tpu.memory_space<vmem>>, vector<1x512x2048xf32>
    %get3A_21 = vector.shape_cast %get3A_20 : vector<1x512x2048xf32> to vector<512x2048xf32>
    %dot_general3A_22 = arith.constant dense<0.000000e+00> : vector<512x32xf32>
    %dot_general3A_23 = tpu.matmul %get3A_21, %get3A_10, %dot_general3A_22 {dimension_numbers = #tpu.dot_dimension_numbers<[1], [0], [0], [1], [0, 0, 1, 1], [], []>, transpose_lhs_hint = false} : vector<512x2048xf32>, vector<2048x32xf32>, vector<512x32xf32> -> vector<512x32xf32>
    %logistic3A = arith.negf %dot_general3A_16 : vector<512x32xf32>
    %logistic3A_24 = math.exp %logistic3A : vector<512x32xf32>
    %logistic3A_25 = arith.constant 1.000000e+00 : f32
    %logistic3A_26 = vector.broadcast %logistic3A_25 : f32 to vector<512x32xf32>
    %logistic3A_27 = arith.addf %logistic3A_26, %logistic3A_24 : vector<512x32xf32>
    %logistic3A_28 = arith.divf %logistic3A_26, %logistic3A_27 : vector<512x32xf32>
    %mul3A = arith.mulf %dot_general3A_16, %logistic3A_28 : vector<512x32xf32>
    %mul3A_29 = arith.mulf %mul3A, %dot_general3A_23 : vector<512x32xf32>
    %iota3A = tpu.iota {dimensions = array<i32: 0>} : vector<8x32xi32>
    %eq3A_30 = vector.broadcast %arg0 : i32 to vector<8x32xi32>
    %eq3A_31 = arith.cmpi eq, %iota3A, %eq3A_30 : vector<8x32xi32>
    %get3A_32 = arith.constant 0 : index
    %get3A_33 = arith.constant 0 : index
    %get3A_34 = vector.load %arg2[%get3A_32, %get3A_33] : memref<8x32xf32, #tpu.memory_space<vmem>>, vector<8x32xf32>
    %jit3A = arith.constant 0.000000e+00 : f32
    %broadcast_in_dim3A = vector.broadcast %jit3A : f32 to vector<8x32xf32>
    %select_n3A = arith.select %eq3A_31, %get3A_34, %broadcast_in_dim3A : vector<8x32xi1>, vector<8x32xf32>
    %reduce_sum3A = arith.constant dense<0.000000e+00> : vector<32xf32>
    %reduce_sum3A_35 = vector.multi_reduction <add>, %select_n3A, %reduce_sum3A [0] : vector<8x32xf32> to vector<32xf32>
    %broadcast_in_dim3A_36 = vector.shape_cast %reduce_sum3A_35 : vector<32xf32> to vector<1x32xf32>
    %mul3A_37 = vector.broadcast %broadcast_in_dim3A_36 : vector<1x32xf32> to vector<512x32xf32>
    %mul3A_38 = arith.mulf %mul3A_29, %mul3A_37 : vector<512x32xf32>
    %get3A_39 = arith.constant 0 : index
    %get3A_40 = arith.constant 0 : index
    %get3A_41 = arith.constant 0 : index
    %get3A_42 = vector.load %arg6[%get3A_39, %get3A_40, %get3A_41] : memref<1x2048x512xf32, #tpu.memory_space<vmem>>, vector<1x2048x512xf32>
    %get3A_43 = vector.shape_cast %get3A_42 : vector<1x2048x512xf32> to vector<2048x512xf32>
    %dot_general3A_44 = arith.constant dense<0.000000e+00> : vector<2048x32xf32>
    %dot_general3A_45 = tpu.matmul %get3A_43, %mul3A_38, %dot_general3A_44 {dimension_numbers = #tpu.dot_dimension_numbers<[1], [0], [0], [1], [0, 0, 1, 1], [], []>, transpose_lhs_hint = false} : vector<2048x512xf32>, vector<512x32xf32>, vector<2048x32xf32> -> vector<2048x32xf32>
    %convert_element_type3A_46 = arith.extui %and3A : i1 to i32
    %cond3A_47 = arith.constant 0 : i32
    %cond3A_48 = arith.cmpi ne, %convert_element_type3A_46, %cond3A_47 : i32
    scf.if %cond3A_48 {
      %swap3A = arith.constant 0 : index
      %swap3A_56 = arith.constant 0 : index
      %swap3A_57 = vector.load %arg9[%swap3A, %swap3A_56] : memref<2048x32xf32, #tpu.memory_space<vmem>>, vector<2048x32xf32>
      tpu.vector_store %arg9[%swap3A, %swap3A_56], %dot_general3A_45 {strides = array<i32>} : memref<2048x32xf32, #tpu.memory_space<vmem>>, vector<2048x32xf32>,
    } else {
    }
    %not3A = arith.constant true
    %not3A_49 = arith.xori %and3A, %not3A : i1
    %convert_element_type3A_50 = arith.extui %not3A_49 : i1 to i32
    %cond3A_51 = arith.constant 0 : i32
    %cond3A_52 = arith.cmpi ne, %convert_element_type3A_50, %cond3A_51 : i32
    scf.if %cond3A_52 {
      %get3A_56 = arith.constant 0 : index
      %get3A_57 = arith.constant 0 : index
      %get3A_58 = vector.load %arg9[%get3A_56, %get3A_57] : memref<2048x32xf32, #tpu.memory_space<vmem>>, vector<2048x32xf32>
      %add3A = arith.addf %get3A_58, %dot_general3A_45 : vector<2048x32xf32>
      %swap3A = arith.constant 0 : index
      %swap3A_59 = arith.constant 0 : index
      %swap3A_60 = vector.load %arg9[%swap3A, %swap3A_59] : memref<2048x32xf32, #tpu.memory_space<vmem>>, vector<2048x32xf32>
      tpu.vector_store %arg9[%swap3A, %swap3A_59], %add3A {strides = array<i32>} : memref<2048x32xf32, #tpu.memory_space<vmem>>, vector<2048x32xf32>,
    } else {
    }
    %convert_element_type3A_53 = arith.extui %and3A_7 : i1 to i32
    %cond3A_54 = arith.constant 0 : i32
    %cond3A_55 = arith.cmpi ne, %convert_element_type3A_53, %cond3A_54 : i32
    scf.if %cond3A_55 {
      %get3A_56 = arith.constant 0 : index
      %get3A_57 = arith.constant 0 : index
      %get3A_58 = vector.load %arg9[%get3A_56, %get3A_57] : memref<2048x32xf32, #tpu.memory_space<vmem>>, vector<2048x32xf32>
      %transpose3A = tpu.transpose %get3A_58, [1, 0] : vector<2048x32xf32> -> vector<32x2048xf32>
      %swap3A = arith.constant 0 : index
      %swap3A_59 = arith.constant 0 : index
      %swap3A_60 = vector.load %arg7[%swap3A, %swap3A_59] : memref<32x2048xf32, #tpu.memory_space<vmem>>, vector<32x2048xf32>
      tpu.vector_store %arg7[%swap3A, %swap3A_59], %transpose3A {strides = array<i32>} : memref<32x2048xf32, #tpu.memory_space<vmem>>, vector<32x2048xf32>,
    } else {
    }
    return
  }
  func.func @transform_0(%arg0: i32, %arg1: i32) -> (i32, i32) {
    %c0_i32 = arith.constant 0 : i32
    %c0_i32_0 = arith.constant 0 : i32
    %c0_i32_1 = arith.constant 0 : i32
    return %c0_i32, %c0_i32_0 : i32, i32
  }
  func.func @transform_1(%arg0: i32, %arg1: i32) -> (i32, i32) {
    %c0_i32 = arith.constant 0 : i32
    %c0_i32_0 = arith.constant 0 : i32
    %c0_i32_1 = arith.constant 0 : i32
    return %c0_i32, %c0_i32_0 : i32, i32
  }
  func.func @transform_2(%arg0: i32, %arg1: i32) -> (i32, i32, i32) {
    %c0_i32 = arith.constant 0 : i32
    %c0_i32_0 = arith.constant 0 : i32
    return %arg0, %arg1, %c0_i32 : i32, i32, i32
  }
  func.func @transform_3(%arg0: i32, %arg1: i32) -> (i32, i32, i32) {
    %c0_i32 = arith.constant 0 : i32
    %c0_i32_0 = arith.constant 0 : i32
    return %arg0, %arg1, %c0_i32 : i32, i32, i32
  }
  func.func @transform_4(%arg0: i32, %arg1: i32) -> (i32, i32, i32) {
    %c0_i32 = arith.constant 0 : i32
    %c0_i32_0 = arith.constant 0 : i32
    return %arg0, %c0_i32, %arg1 : i32, i32, i32
  }
  func.func @transform_5(%arg0: i32, %arg1: i32) -> (i32, i32) {
    %c0_i32 = arith.constant 0 : i32
    %c0_i32_0 = arith.constant 0 : i32
    %c0_i32_1 = arith.constant 0 : i32
    return %c0_i32, %c0_i32_0 : i32, i32
  }
}

</mosaic_0001>

<sc_bundles>
// kernel: kernel.4.cloned.1.call-start
scs
__scs_entry_jumppad:
0x0: {  	(pc) =	sbr.rel $0x88, $3  }
0x1: {  	(tag) =	ssettag $0x0;
	lr =	simm.s32 $0x1  }
0x2: {  	[smem:$0x3F9B] =	sst lr;
	_ =	strace $0xD0000000  }
0x3: {  	_ = 	snop  }
0x4: {  	_ = 	snop  }
0x5: {  	_ = 	snop  }
0x6: {  	_ = 	snop  }
0x7: {  	_ = 	snop  }
__scs_overlays_trampoline_lowered:
0x8: {  	[smem:$0x3FAA] =	sst s0  }
0x9: {  	[smem:$0x3FAB] =	sst s1  }
0xa: {  	[smem:$0x3FAC] =	sst s2  }
0xb: {  	[smem:$0x3FAD] =	sst s3  }
0xc: {  	[smem:$0x3FAE] =	sst s4  }
0xd: {  	[smem:$0x3FAF] =	sst s5  }
0xe: {  	[smem:$0x3FB0] =	sst s6  }
0xf: {  	[smem:$0x3FB1] =	sst s7  }
0x10: {  	[smem:$0x3FB2] =	sst s8  }
0x11: {  	[smem:$0x3FB3] =	sst s9;
	s0 =	simm.s32 @!p0 $0x0  }
0x12: {  	s1 =	sld [smem:$0x3F99];
	s0 =	simm.s32 @p0 $0x1  }
0x13: {  	[smem:$0x3FB4] =	sst s0;
	s0 =	simm.s32 @!p1 $0x0  }
0x14: {  	s2 =	sld [smem:$0x3F98];
	s0 =	simm.s32 @p1 $0x1  }
0x15: {  	[smem:$0x3FB5] =	sst s0;
	s0 =	simm.s32 @!p2 $0x0  }
0x16: {  	s3 =	sld [smem:$0x3FDB];
	s0 =	simm.s32 @p2 $0x1  }
0x17: {  	s4 =	simm.s32 $0x1BF5;
	[smem:$0x3FB7] =	sst s0  }
0x18: {  	s0 =	sld [smem:$0x3F9A];
	_ =	swait.ge [sflag:s4], $0x0  }
0x19: {  	s7 =	sld [smem:$0x3F9B]  }
0x1a: {  	s8 =	sadd.s32 $0xFFFFE003, lr  }
0x1b: {  	s9 =	sadd.s32 $0xFFFFFEF7, lr;
	s5 =	simm.s32 $0xFFFFFFFF;
	p2 =	slt.u32 s8, $0xFFFFF086  }
0x1c: {  	p1 =	slt.u32 s9, $0xF7A;
	s5 =	simm.s32 @!p2 $0x0  }
0x1d: {  	s5 =	simm.s32 @p1 $0x1;
	p0 =	seq.s32 s7, s2  }
0x1e: {  	s7 =	smul.u32 @!p0 $0xF7A, s2;
	p2 =	seq.s32 @!p0 s5, $0x0  }
0x1f: {  	s9 =	smul.u32 $0xF7A, s1;
	s8 =	simm.s32 @!p0 $0x1BF5;
	p2 =	por !p2, p0  }
0x20: {  	[sflag:s8] =	ssyncset.s32 @!p0 $0xFFFFF086;
	s6 =	sadd.s32 @!p0 s3, s7;
	s7 =	simm.s32 @!p0 $0x108  }
0x21: {  	s3 =	sadd.s32 s3, s9;
	s6 =	sadd.s32 @!p0 $0x88, s6;
	s7 =	simm.s32 @p2 $0x1082  }
0x22: {  	[simem:s7], [sflag:s8] =	dma.local @!p0 [hbm:s6], $0xF7A  }
0x23: {  	s9 =	sor.u32 $0xD0000000, s2;
	s6 =	simm.s32 $0x108;
	_ =	swait.ge @!p0 [sflag:s8], $0x0  }
0x24: {  	s3 =	sadd.s32 $0x88, s3;
	s6 =	simm.s32 @!p1 $0x1082;
	[sflag:s4] =	ssyncset.s32 $0xFFFFF086  }
0x25: {  	[simem:s6], [sflag:s4] =	dma.local [hbm:s3], $0xF7A  }
0x26: {  	[smem:$0x3F9B] =	sst s1;
	(tag) =	ssettag s2;
	_ =	strace s9  }
0x27: {  	s1 =	sld [smem:$0x3FAB]  }
0x28: {  	s2 =	sld [smem:$0x3FAC]  }
0x29: {  	s4 =	sld [smem:$0x3FAE]  }
0x2a: {  	p0 =	seq.s32 s5, $0x0;
	s5 =	sld [smem:$0x3FAF]  }
0x2b: {  	s6 =	sld [smem:$0x3FB0]  }
0x2c: {  	s7 =	sld [smem:$0x3FB1]  }
0x2d: {  	s3 =	simm.s32 $0x108;
	s8 =	sld [smem:$0x3FB2]  }
0x2e: {  	s3 =	simm.s32 @!p0 $0x1082;
	s9 =	sld [smem:$0x3FB3]  }
0x2f: {  	lr =	sadd.s32 s0, s3;
	s0 =	sld [smem:$0x3FAA]  }
0x30: {  	s3 =	sld [smem:$0x3FAD]  }
0x31: {  	[smem:$0x3FB6] =	sst s10  }
0x32: {  	s10 =	sld [smem:$0x3FB4];
	_ =	sdelay $0x3  }
0x33: {  	p0 =	seq.s32 s10, $0x1;
	s10 =	sld [smem:$0x3FB6];
	_ =	sdelay $0x3  }
0x34: {  	[smem:$0x3FB6] =	sst s10  }
0x35: {  	s10 =	sld [smem:$0x3FB5];
	_ =	sdelay $0x3  }
0x36: {  	p1 =	seq.s32 s10, $0x1;
	s10 =	sld [smem:$0x3FB6];
	_ =	sdelay $0x3  }
0x37: {  	[smem:$0x3FB6] =	sst s10  }
0x38: {  	s10 =	sld [smem:$0x3FB7]  }
0x39: {  	_ = 	snop;
	(pc) =	sbr.ind lr, $3  }
0x3a: {  	_ = 	snop  }
0x3b: {  	_ = 	snop  }
0x3c: {  	p2 =	seq.s32 s10, $0x1;
	s10 =	sld [smem:$0x3FB6]  }
0x3d: {  	_ =	shalt  }
0x3e: {  	_ =	shalt  }
0x3f: {  	_ =	shalt  }
0x40: {  	_ =	shalt  }
0x41: {  	_ =	shalt  }
0x42: {  	_ =	shalt  }
0x43: {  	_ =	shalt  }
0x44: {  	_ =	shalt  }
0x45: {  	_ =	shalt  }
0x46: {  	_ =	shalt  }
0x47: {  	_ =	shalt  }
0x48: {  	_ =	shalt  }
0x49: {  	_ =	shalt  }
0x4a: {  	_ =	shalt  }
0x4b: {  	_ =	shalt  }
0x4c: {  	_ =	shalt  }
0x4d: {  	_ =	shalt  }
0x4e: {  	_ =	shalt  }
0x4f: {  	_ =	shalt  }
0x50: {  	_ =	shalt  }
0x51: {  	_ =	shalt  }
0x52: {  	_ =	shalt  }
0x53: {  	_ =	shalt  }
0x54: {  	_ =	shalt  }
0x55: {  	_ =	shalt  }
0x56: {  	_ =	shalt  }
0x57: {  	_ =	shalt  }
0x58: {  	_ =	shalt  }
0x59: {  	_ =	shalt  }
0x5a: {  	_ =	shalt  }
0x5b: {  	_ =	shalt  }
0x5c: {  	_ =	shalt  }
0x5d: {  	_ =	shalt  }
0x5e: {  	_ =	shalt  }
0x5f: {  	_ =	shalt  }
0x60: {  	_ =	shalt  }
0x61: {  	_ =	shalt  }
0x62: {  	_ =	shalt  }
0x63: {  	_ =	shalt  }
0x64: {  	_ =	shalt  }
0x65: {  	_ =	shalt  }
0x66: {  	_ =	shalt  }
0x67: {  	_ =	shalt  }
0x68: {  	_ =	shalt  }
0x69: {  	_ =	shalt  }
0x6a: {  	_ =	shalt  }
0x6b: {  	_ =	shalt  }
0x6c: {  	_ =	shalt  }
0x6d: {  	_ =	shalt  }
0x6e: {  	_ =	shalt  }
0x6f: {  	_ =	shalt  }
0x70: {  	_ =	shalt  }
0x71: {  	_ =	shalt  }
0x72: {  	_ =	shalt  }
0x73: {  	_ =	shalt  }
0x74: {  	_ =	shalt  }
0x75: {  	_ =	shalt  }
0x76: {  	_ =	shalt  }
0x77: {  	_ =	shalt  }
0x78: {  	_ =	shalt  }
0x79: {  	_ =	shalt  }
0x7a: {  	_ =	shalt  }
0x7b: {  	_ =	shalt  }
0x7c: {  	_ =	shalt  }
0x7d: {  	_ =	shalt  }
0x7e: {  	_ =	shalt  }
0x7f: {  	_ =	shalt  }
0x80: {  	_ =	shalt  }
0x81: {  	_ =	shalt  }
0x82: {  	_ =	shalt  }
0x83: {  	_ =	shalt  }
0x84: {  	_ =	shalt  }
0x85: {  	_ =	shalt  }
0x86: {  	_ =	shalt  }
0x87: {  	_ =	shalt  }
.Lfunc_end0:
.L_simem_size_0:
called_computation_lowered:
.L_overlay_start_0:
0x88: {  	s2 =	sld [smem:$0x3FD9]  }
0x89: {  	s3 =	sld [smem:$0x3FFE];
	_ =	sdelay $0x1  }
0x8a: {  	s1 =	srdreg.scid  }
0x8b: {  	s0 =	sand.u32 $0x1, s1  }
0x8c: {  	s17 =	sshll.u32 s0, $0xA;
	s2 =	sadd.s32 s3, s2  }
0x8d: {  	s2 =	sadd.s32 s2, s17  }
0x8e: {  	[smem:$0x3FC2] =	sst s2  }
0x8f: {  	_ = 	snop  }
0x90: {  	s2 =	sld [smem:$0x3FD0];
	(tm) =	ssettm $0x1  }
0x91: {  	s18 =	sld [smem:$0x3FFB];
	_ =	sdelay $0x3  }
0x92: {  	_ =	strace s18  }
0x93: {  	s3 =	sld [smem:$0x3FFC];
	_ =	sdelay $0x3  }
0x94: {  	_ =	strace s3  }
0x95: {  	s3 =	sld [smem:$0x3FFD];
	_ =	sdelay $0x3  }
0x96: {  	_ =	strace s3  }
0x97: {  	_ =	strace $0x8FFFFFFF  }
0x98: {  	s19 =	sld [smem:$0x3FDB];
	_ =	sdelay $0x1  }
0x99: {  	s4 =	simm.s32 $_scs_section_size  }
0x9a: {  	s5 =	simm.s32 $_size__tile_overlayer_lowered;
	s6 =	simm.s32 $_tile_overlayer_lowered  }
0x9b: {  	s22 =	simm.s32 $0x1BFF;
	s21 =	sshll.u32 s6, $0x1;
	s3 =	sadd.s32 s4, s19  }
0x9c: {  	s7 =	simm.s32 $0x0;
	s20 =	sshll.u32 s5, $0x1;
	s5 =	sadd.s32 s21, s3  }
0x9d: {  	[timem:s7], [sflag:s22] =	dma.local [hbm:s5], s20  }
0x9e: {  	_ =	swait.ge [sflag:s22], s20  }
0x9f: {  	s4 =	ssub.s32 $0x0, s20;
	[sflag:s22] =	ssyncset.done $0x0  }
0xa0: {  	[sflag:s22] =	ssyncadd.s32 s4;
	_ =	sdelay $0x1  }
0xa1: {  	s23 =	simm.s32 $0x1B8B  }
0xa2: {  	_ =	swait.ge [sflag:s23], $0x1  }
0xa3: {  	[sflag:s23] =	ssyncset.done $0x0  }
0xa4: {  	s25 =	simm.s32 $0x1B8E;
	s24 =	sld [smem:$0x3FFE];
	[sflag:s23] =	ssyncadd.s32 $0xFFFFFFFF  }
0xa5: {  	s26 =	simm.s32 $execute0_lowered;
	[smem:$0x3FD2] =	sst s25  }
0xa6: {  	s5 =	sshll.u32 s26, $0x1;
	_ =	strace $0x80000046;
	[dreg:$0x1] =	wrdreg $0xFFFFFFFF  }
0xa7: {  	s28 =	simm.s32 $_size_execute0_lowered;
	s3 =	sadd.s32 s3, s5;
	[dreg:$0x0] =	wrdreg $0x0  }
0xa8: {  	s5 =	sshll.u32 s28, $0x1;
	[dreg:$0x2] =	wrdreg s3  }
0xa9: {  	[dreg:$0x3] =	wrdreg s5  }
0xaa: {  	[dreg:$0x4] =	wrdreg $0xC0  }
0xab: {  	_ =	task [dreg:s7], $0x5FFFF  }
0xac: {  	[dreg:$0x1] =	wrdreg $0xFFFFFFFF  }
0xad: {  	[dreg:$0x0] =	wrdreg $0x60  }
0xae: {  	[dreg:$0x2] =	wrdreg s24  }
0xaf: {  	[dreg:$0x3] =	wrdreg s2  }
0xb0: {  	[dreg:$0x4] =	wrdreg $0x9  }
0xb1: {  	_ =	task.clear_ibuf [dreg:s7], $0x5FFFF;
	_ =	strace $0x90000046  }
0xb2: {  	s29 =	simm.s32 $0x9;
	_ =	strace $0x80000048  }
0xb3: {  	_ =	swait.ge [sflag:s29], $0x1  }
0xb4: {  	[sflag:s29] =	ssyncadd.s32 $0xFFFFFFFF  }
0xb5: {  	_ =	strace $0x90000048  }
0xb6: {  	_ =	sfence  }
0xb7: {  	s30 =	sld [smem:$0x0];
	_ =	sdelay $0x2  }
0xb8: {  	s31 =	sshll.u32 s1, $0xD;
	s1 =	sshrl.u32 s1, $0x2  }
0xb9: {  	s3 =	sand.u32 $0x4000, s31;
	s1 =	sadd.s32 s1, s30  }
0xba: {  	s0 =	sor.u32 s3, s0;
	s1 =	sshll.u32 s1, $0x11  }
0xbb: {  	s0 =	sor.u32 s1, s0  }
0xbc: {  	s0 =	sadd.s32 $0x8F2B, s0  }
0xbd: {  	[sflag:s0] =	ssyncadd.remote.s32 $0x1  }
0xbe: {  	_ =	sfence.sel $0xFFFF  }
0xbf: {  	[dreg:$0x0] =	wrdreg $0xFFFFFFFF;
	(pc) =	sbr.abs _section_cstart, $3  }
0xc0: {  	[dreg:$0x1] =	wrdreg $0xFFFFFFFF  }
0xc1: {  	_ =	task.clear_ibuf [dreg:s7], $0x2FFFF;
	_ =	strace $0x9FFFFFFF  }
0xc2: {  	(tm) =	ssettm $0x7FFFFFFF  }
0xc3: {  	_ =	shalt  }
tec
execute0_lowered:
.L_overlay_start_1:
0x0: {  	(tag) =	ssettag $0x1  }
0x1: {  	s0 =	srdreg.scid  }
0x2: {  	s3 =	sand.u32 $0x1, s0;
	s0 =	stileid.u32  }
0x3: {  	s5 =	sor.u32 s0, s3  }
0x4: {  	p0 =	sne.s32 s5, $0x0  }
.Ltmp0:
0x5: {  	_ = 	snop;
	(pc) =	sbr.rel @p0 .LBB2_3-.Ltmp0, $4  }
0x6: {  	_ = 	snop  }
0x7: {  	s4 =	rddreg [dreg:$0x0]  }
0x8: {  	s2 =	rddreg [dreg:$0x1]  }
0x9: {  	s1 =	rddreg [dreg:$0x2];
	_ =	strace $0x80000047  }
0xa: {  	vm0 =	vcmask $0xB08;
	vm1 =	vcmask $0x300;
	vm2 =	vcmask $0xF0C  }
0xb: {  	vm3 =	vcmask $0x704;
	vm0 =	vmor vm1, vm0;
	vm1 =	vcmask $0x1310  }
0xc: {  	v1 =	vlaneseq.u32;
	vm0 =	vmor vm0, vm1;
	vm1 =	vcmask $0x1B18  }
0xd: {  	v0 =	vimm.f32 $0.0e+00;
	vm0 =	vmor vm0, vm1;
	vm1 =	vcmask $0x2320  }
0xe: {  	v1 =	vshrl.u32 v1, $0x1;
	vm0 =	vmor vm0, vm1;
	vm1 =	vcmask $0x2B28  }
0xf: {  	vm0 =	vmor vm0, vm1;
	vm1 =	vmor vm3, vm2;
	vm2 =	vcmask $0x1714  }
0x10: {  	v2 =	vor.u32 $0x8, v1;
	vm1 =	vmor vm1, vm2;
	vm2 =	vcmask $0x1F1C  }
0x11: {  	v3 =	vor.u32 $0x10, v1;
	vm1 =	vmor vm1, vm2;
	vm2 =	vcmask $0x2724  }
0x12: {  	vm3 =	vcmask $0x3330;
	vm1 =	vmor vm1, vm2;
	vm2 =	vcmask $0x2F2C  }
0x13: {  	s5 =	ssub.s32 $0x2, s3;
	s3 =	sadd.s32 $0x400, s4;
	s4 =	sadd.s32 $0x600, s4;
	vm0 =	vmor vm0, vm3;
	vm1 =	vmor vm1, vm2;
	vm2 =	vcmask $0x3734  }
0x14: {  	s7 =	simm.s32 $0x1;
	s8 =	simm.s32 $0x80;
	s6 =	sshrl.u32 s5, $0x1;
	vm3 =	vcmask $0x3B38;
	vm1 =	vmor vm1, vm2;
	vm2 =	vcmask $0x3F3C  }
0x15: {  	s9 =	simm.s32 $0x100;
	s5 =	ssub.s32 s5, s6;
	s6 =	simm.s32 $0x0;
	v4 =	vor.u32 $0x18, v1;
	vm0 =	vmor vm0, vm3;
	vm1 =	vmor vm1, vm2  }
.LBB2_2:
0x16: {  	[tilespmem:s6], [sflag:$0x1] =	stream.linear.gather [hbm4b:s3+s6], $0x80, $0x38;
	[tilespmem:$0x200] =	vst v63  }
0x17: {  	_ =	swait.ge [sflag:s7], $0x80  }
0x18: {  	[sflag:s7] =	ssyncset.done $0x0  }
0x19: {  	[sflag:s7] =	ssyncadd.s32 $0xFFFFFF80  }
0x1a: {  	[tilespmem:s8], [sflag:$0x1] =	stream.linear.gather [hbm4b:s4+s6], $0x80, $0x38;
	[tilespmem:$0x200] =	vst v63  }
0x1b: {  	_ =	swait.ge [sflag:s7], $0x80  }
0x1c: {  	[sflag:s7] =	ssyncset.done $0x0  }
0x1d: {  	[sflag:s7] =	ssyncadd.s32 $0xFFFFFF80  }
0x1e: {  	[tilespmem:$0x100] =	vst v0  }
0x1f: {  	[tilespmem:$0x110] =	vst v0  }
0x20: {  	[tilespmem:$0x120] =	vst v0  }
0x21: {  	[tilespmem:$0x130] =	vst v0  }
0x22: {  	[tilespmem:$0x140] =	vst v0  }
0x23: {  	[tilespmem:$0x150] =	vst v0;
	v5 =	vld [tilespmem:$0x0]  }
0x24: {  	[tilespmem:$0x160] =	vst v0  }
0x25: {  	[tilespmem:$0x170] =	vst v0  }
0x26: {  	[tilespmem:$0x180] =	vst v0  }
0x27: {  	[tilespmem:$0x190] =	vst v0  }
0x28: {  	[tilespmem:$0x1A0] =	vst v0;
	v5 =	vshll.u32 v5, $0x5  }
0x29: {  	[tilespmem:$0x1B0] =	vst v0;
	v6 =	vld [tilespmem:$0x80];
	v5 =	vor.u32 v1, v5  }
0x2a: {  	[tilespmem:$0x1C0] =	vst v0  }
0x2b: {  	[tilespmem:$0x1D0] =	vst v0  }
0x2c: {  	[tilespmem:$0x1E0] =	vst v0  }
0x2d: {  	[tilespmem:$0x1F0] =	vst v0  }
0x2e: {  	[tilespmem:v5+s9+$0x0] =	vst.idx.add.f32.msk vm0, v6  }
0x2f: {  	[tilespmem:v5+s9+$0x0] =	vst.idx.add.f32.msk vm1, v6  }
0x30: {  	v5 =	vld [tilespmem:$0x10];
	_ =	sdelay $0x4  }
0x31: {  	v5 =	vshll.u32 v5, $0x5  }
0x32: {  	v6 =	vld [tilespmem:$0x90];
	v5 =	vor.u32 v2, v5;
	_ =	sdelay $0x4  }
0x33: {  	[tilespmem:v5+s9+$0x0] =	vst.idx.add.f32.msk vm0, v6  }
0x34: {  	[tilespmem:v5+s9+$0x0] =	vst.idx.add.f32.msk vm1, v6  }
0x35: {  	v5 =	vld [tilespmem:$0x20];
	_ =	sdelay $0x4  }
0x36: {  	v5 =	vshll.u32 v5, $0x5  }
0x37: {  	v6 =	vld [tilespmem:$0xA0];
	v5 =	vor.u32 v3, v5;
	_ =	sdelay $0x4  }
0x38: {  	[tilespmem:v5+s9+$0x0] =	vst.idx.add.f32.msk vm0, v6  }
0x39: {  	[tilespmem:v5+s9+$0x0] =	vst.idx.add.f32.msk vm1, v6  }
0x3a: {  	v5 =	vld [tilespmem:$0x30];
	_ =	sdelay $0x4  }
0x3b: {  	v5 =	vshll.u32 v5, $0x5  }
0x3c: {  	v6 =	vld [tilespmem:$0xB0];
	v5 =	vor.u32 v4, v5;
	_ =	sdelay $0x4  }
0x3d: {  	p0 =	sne.s32 s5, $0x1;
	[tilespmem:v5+s9+$0x0] =	vst.idx.add.f32.msk vm0, v6  }
.Ltmp1:
0x3e: {  	[tilespmem:v5+s9+$0x0] =	vst.idx.add.f32.msk vm1, v6;
	(pc) =	sbr.rel @p0 .LBB2_2-.Ltmp1, $4  }
0x3f: {  	[hbm4b:s2+s6] =	stream.linear.scatter [tilespmem:s9], [sflag:$0x1], $0x100, $0x38;
	[tilespmem:$0x200] =	vst v63  }
0x40: {  	_ =	swait.ge [sflag:s7], $0x100  }
0x41: {  	[sflag:s7] =	ssyncset.done $0x0  }
0x42: {  	s5 =	sadd.s32 $0xFFFFFFFF, s5;
	[sflag:s7] =	ssyncadd.s32 $0xFFFFFF00  }
.LBB2_3:
0x43: {  	_ =	sfence.sel $0x180000  }
0x44: {  	[bflag:$0x0] =	sbarrier.arrive $0xFFFF  }
0x45: {  	p0 =	sne.s32 s0, $0x0;
	_ =	strace $0x90000047  }
0x46: {  	s0 =	sadd.s32 @!p0 $0x100000, s1;
	[bflag:$0x2] =	sbarrier.arrive $0xFFFF  }
0x47: {  	[sflag:s0] =	ssyncadd.tile.s32 @!p0 $0x1;
	_ =	shalt  }
.Lfunc_end2:
_tile_overlayer_lowered:
.L_overlay_start_2:
0x48: {  	(tag) =	ssettag $0x2  }
0x49: {  	s0 =	rddreg [dreg:$0x0];
	s2 =	stileid.u32  }
0x4a: {  	s1 =	rddreg [dreg:$0x1];
	p0 =	sne.s32 s2, $0x0  }
0x4b: {  	s3 =	rddreg [dreg:$0x2];
	[bflag:$0x3] =	sbarrier.arrive $0xFFFF;
	s2 =	simm.s32 @!p0 $0x1C01  }
0x4c: {  	[timem:s3], [sflag:s2] =	dma.local @!p0 [hbm:s0], s1  }
0x4d: {  	s0 =	simm.s32 @!p0 $0x1  }
0x4e: {  	_ =	swait.ge @!p0 [sflag:s0], s1  }
0x4f: {  	s1 =	ssub.s32 @!p0 $0x0, s1;
	[sflag:s0] =	ssyncset.done @!p0 $0x0  }
0x50: {  	[sflag:s0] =	ssyncadd.s32 @!p0 s1  }
0x51: {  	[bflag:$0x3] =	sbarrier.arrive $0xFFFF  }
0x52: {  	_ =	shalt  }

</sc_bundles>
